<compile_context>
chip_gen: v7x
topology: tpu7x:2x2x1
jax: 0.10.2.dev20260603
libtpu: 0.0.44.dev20260713+nightly
codegen_flags: <defaults>
</compile_context>

<pallas_src>
import jax
import jax.numpy as jnp
from jax import lax
from jax.experimental import pallas as pl
from jax.experimental.pallas import tpu as pltpu
from jax.experimental.pallas import tpu_sc as plsc

B, T, C = 4, 2048, 1024
TA = T // 2
TB = T // 2
R = 512
N_UNM = TA - R
HC = C // 2

_F32 = jnp.float32
_I32 = jnp.int32

_N_CORES = 2
_N_SUB = 16
_B_PER_CORE = B // _N_CORES
_UNM_PER_TILE = N_UNM // _N_SUB


def _select_body(k_ref, unm_glob_ref, dst_slot_ref, sm_ref):
    batch = pl.program_id(0)
    kv = k_ref[0]
    a = kv[:, :C]
    b = kv[:, C:]

    a_n = a / (jnp.sqrt(jnp.sum(a * a, axis=-1, keepdims=True)) + 1e-12)
    b_n = b / (jnp.sqrt(jnp.sum(b * b, axis=-1, keepdims=True)) + 1e-12)
    sim = lax.dot_general(
        a_n, b_n, (((1,), (1,)), ((), ())), preferred_element_type=_F32
    )

    ii = lax.broadcasted_iota(_I32, (TA, TB), 0)
    jj = lax.broadcasted_iota(_I32, (TA, TB), 1)
    neg_inf = jnp.float32(-jnp.inf)
    sim = jnp.where(ii == 0, neg_inf, sim)
    sim_t = jnp.transpose(sim)

    v_col = jnp.max(sim, axis=1, keepdims=True)
    v_row = jnp.max(sim_t, axis=0, keepdims=True)

    nidx_row = jnp.min(
        jnp.where(sim_t == v_row, ii, TB), axis=0, keepdims=True
    )

    ahead_c = (v_row > v_col) | ((v_row == v_col) & (jj < ii))
    rank_col = jnp.sum(ahead_c.astype(_I32), axis=1, keepdims=True)
    ahead_r = (v_col > v_row) | ((v_col == v_row) & (ii < jj))
    rank_row = jnp.sum(ahead_r.astype(_I32), axis=0, keepdims=True)

    src_row = rank_row < R
    unm_col = (rank_col >= R).astype(_I32)
    unm_pos_row = jnp.sum(
        jnp.where(ii < jj, unm_col, 0), axis=0, keepdims=True
    )
    unm_pos_col = jnp.sum(
        jnp.where((jj < ii) & (rank_row >= R), 1, 0), axis=1, keepdims=True
    )

    ii2 = lax.broadcasted_iota(_I32, (TA, R), 0)
    uu2 = lax.broadcasted_iota(_I32, (TA, R), 1)
    hit_unm = (unm_pos_col == uu2) & (rank_col >= R)
    inv_unm = jnp.sum(jnp.where(hit_unm, ii2, 0), axis=0, keepdims=True)

    unm_glob_ref[0] = batch * T + 2 * inv_unm
    dst_slot_ref[0] = jnp.where(src_row, nidx_row, -1)

    even_map = jnp.where(src_row, nidx_row + N_UNM, unm_pos_row)
    odd_map = lax.broadcasted_iota(_I32, (1, TB), 1) + N_UNM
    sm_ref[0, 0:1, :] = even_map
    sm_ref[0, 1:2, :] = odd_map


def _sc_gather_body(xf_hbm, unm_glob_hbm, merged_hbm, idx_v, rows_v):
    core = lax.axis_index("c")
    sub = lax.axis_index("s")
    u0 = sub * _UNM_PER_TILE
    for bb in range(_B_PER_CORE):
        bg = core * _B_PER_CORE + bb
        pltpu.sync_copy(unm_glob_hbm.at[bg, pl.ds(u0, _UNM_PER_TILE)], idx_v)
        pltpu.sync_copy(xf_hbm.at[idx_v], rows_v)
        pltpu.sync_copy(rows_v, merged_hbm.at[bg, pl.ds(u0, _UNM_PER_TILE)])


_RCHUNK = TB // 2


def _merge_body(xe_ref, xo_ref, dst_slot_ref, alias_ref, merged_ref):
    del alias_ref
    r = pl.program_id(2)
    xe = xe_ref[0]
    xo = xo_ref[0]
    dst_slot = dst_slot_ref[0]

    d_iota = lax.broadcasted_iota(_I32, (_RCHUNK, TA), 0) + r * _RCHUNK
    S = (dst_slot == d_iota).astype(_F32)
    merged_ref[0] = xo + lax.dot_general(
        S, xe, (((1,), (0,)), ((), ())), preferred_element_type=_F32
    )


@jax.jit
def kernel(x, k):
    k2 = k.reshape(B, TA, 2 * C)
    x2 = x.reshape(B, TA, 2 * C)
    xf = x.reshape(B * T, C)

    unm_glob, dst_slot, sm2 = pl.pallas_call(
        _select_body,
        grid=(B,),
        in_specs=[pl.BlockSpec((1, TA, 2 * C), lambda i: (i, 0, 0))],
        out_specs=[
            pl.BlockSpec((1, 1, R), lambda i: (i, 0, 0)),
            pl.BlockSpec((1, 1, TA), lambda i: (i, 0, 0)),
            pl.BlockSpec((1, 2, TA), lambda i: (i, 0, 0)),
        ],
        out_shape=[
            jax.ShapeDtypeStruct((B, 1, R), _I32),
            jax.ShapeDtypeStruct((B, 1, TA), _I32),
            jax.ShapeDtypeStruct((B, 2, TA), _I32),
        ],
    )(k2)

    mesh = plsc.VectorSubcoreMesh(core_axis_name="c", subcore_axis_name="s")
    sc_gather = pl.kernel(
        _sc_gather_body,
        mesh=mesh,
        out_type=jax.ShapeDtypeStruct((B, N_UNM + TB, C), _F32),
        scratch_types=[
            pltpu.VMEM((_UNM_PER_TILE,), _I32),
            pltpu.VMEM((_UNM_PER_TILE, C), _F32),
        ],
    )
    merged_sc = sc_gather(xf, unm_glob.reshape(B, R))

    merged = pl.pallas_call(
        _merge_body,
        grid=(B, 2, 2),
        in_specs=[
            pl.BlockSpec((1, TA, HC), lambda i, h, r: (i, 0, h)),
            pl.BlockSpec((1, _RCHUNK, HC), lambda i, h, r: (i, r, 2 + h)),
            pl.BlockSpec((1, 1, TA), lambda i, h, r: (i, 0, 0)),
            pl.BlockSpec(memory_space=pl.ANY),
        ],
        out_specs=pl.BlockSpec(
            (1, _RCHUNK, HC), lambda i, h, r: (i, 1 + r, h)
        ),
        out_shape=jax.ShapeDtypeStruct((B, N_UNM + TB, C), _F32),
        input_output_aliases={3: 0},
    )(x2, x2, dst_slot, merged_sc)

    source_map = jnp.transpose(sm2, (0, 2, 1)).reshape(B, T)
    return merged, source_map

# --- scband reference (transcript-rebuilt; emitter-appended) ---
"""Pipeline reference for scband-token-merge-51582557225725 (READ-ONLY COPY).

The authoritative reference and input builder live on the scoring server;
editing this copy changes nothing except your own understanding.
"""

import jax, jax.numpy as jnp
import numpy as np

R = 512
PROTECT_CLS = True


def setup_inputs(seed: int = 0) -> dict:
    key = jax.random.key(seed)
    k1, k2 = jax.random.split(key)
    B, T, C = 4, 2048, 1024
    x = jax.random.normal(k1, (B, T, C), dtype=jnp.float32)
    kk = jax.random.normal(k2, (B, T, C), dtype=jnp.float32)
    return {"x": x, "k": kk}


def reference(x, k):
    B, T, C = x.shape
    r = R
    pos_a = jnp.arange(0, T, 2)
    pos_b = jnp.arange(1, T, 2)
    Tb = pos_b.shape[0]
    a = k[:, ::2, :]
    b = k[:, 1::2, :]
    a_norm = a / (jnp.linalg.norm(a, axis=-1, keepdims=True) + 1e-12)
    b_norm = b / (jnp.linalg.norm(b, axis=-1, keepdims=True) + 1e-12)
    sim = a_norm @ jnp.swapaxes(b_norm, -1, -2)
    if PROTECT_CLS:
        sim = sim.at[:, 0, :].set(-jnp.inf)
    node_max = jnp.max(sim, axis=-1)
    node_idx = jnp.argmax(sim, axis=-1)
    edge_order = jnp.argsort(-node_max, axis=-1)
    src_idx = edge_order[:, :r]
    unm_idx = edge_order[:, r:]
    unm_sorted = jnp.sort(unm_idx, axis=-1)
    src = x[:, ::2, :]
    dst = x[:, 1::2, :]
    src_sel = jnp.take_along_axis(src, src_idx[:, :, None], axis=1)
    unm = jnp.take_along_axis(src, unm_sorted[:, :, None], axis=1)
    dst_idx = jnp.take_along_axis(node_idx, src_idx, axis=1)

    def _scatter_add(d, i, v):
        return d.at[i].add(v)

    dst_updated = jax.vmap(_scatter_add)(dst, dst_idx, src_sel)
    merged = jnp.concatenate([unm, dst_updated], axis=1)
    n_unm = unm_sorted.shape[1]

    def _fill_map(unm_s, src_i, dst_i):
        sm = jnp.full((T,), -1, dtype=jnp.int32)
        sm = sm.at[pos_a[unm_s]].set(jnp.arange(n_unm, dtype=jnp.int32))
        sm = sm.at[pos_b].set(jnp.arange(Tb, dtype=jnp.int32) + n_unm)
        sm = sm.at[pos_a[src_i]].set((dst_i + n_unm).astype(jnp.int32))
        return sm

    source_map = jax.vmap(_fill_map)(unm_sorted, src_idx, dst_idx)
    return merged, source_map

if __name__ == "__main__":
    import jax
    _d = setup_inputs()
    print(jax.jit(kernel)(*tuple(_d.values())))

</pallas_src>

<mosaic_0001>
#map = affine_map<(d0, d1) -> (0, 0)>
#map1 = affine_map<(d0, d1) -> (0, 0, 0)>
module attributes {stable_mosaic.version = 14 : i64} {
  func.func @_sc_gather_body(%arg0: i32, %arg1: i32, %arg2: memref<8192x1024xf32, #tpu.memory_space<hbm>>, %arg3: memref<4x512xi32, #tpu.memory_space<hbm>>, %arg4: memref<4x1536x1024xf32, #tpu.memory_space<hbm>>, %arg5: memref<32xi32, #tpu.memory_space<vmem>>, %arg6: memref<32x1024xf32, #tpu.memory_space<vmem>>) attributes {dimension_semantics = [#tpu.dimension_semantics<core_parallel>, #tpu.dimension_semantics<subcore_parallel>], iteration_bounds = array<i64: 2, 16>, scalar_prefetch = 0 : i64, scratch_operands = 2 : i64, tpu.core_type = #tpu.core_type<sc_vector_subcore>, window_params = [{transform_indices = #map}, {transform_indices = #map}, {transform_indices = #map1}]} {
    %mul3A = arith.constant 32 : i32
    %mul3A_0 = arith.muli %arg1, %mul3A : i32
    %mul3A_1 = arith.constant 2 : i32
    %mul3A_2 = arith.muli %arg0, %mul3A_1 : i32
    %add3A = arith.constant 0 : i32
    %add3A_3 = arith.addi %mul3A_2, %add3A : i32
    "tpu.region"() ({
      %run_scoped3A = tpu.sem_alloc : memref<!tpu.dma_semaphore, #tpu.memory_space<semaphore_mem>>
      %dma_start3A = tpu.memref_slice %arg3[%add3A_3, %mul3A_0] : memref<4x512xi32, #tpu.memory_space<hbm>> -> memref<1x32xi32, #tpu.memory_space<hbm>>
      %dma_start3A_8 = tpu.memref_squeeze %dma_start3A : memref<1x32xi32, #tpu.memory_space<hbm>> -> memref<32xi32, #tpu.memory_space<hbm>>
      %dma_start3A_9 = tpu.memref_slice %arg3[%add3A_3, %mul3A_0] : memref<4x512xi32, #tpu.memory_space<hbm>> -> memref<1x32xi32, #tpu.memory_space<hbm>>
      %dma_start3A_10 = tpu.memref_squeeze %dma_start3A_9 : memref<1x32xi32, #tpu.memory_space<hbm>> -> memref<32xi32, #tpu.memory_space<hbm>>
      tpu.enqueue_dma source(%dma_start3A_10 : memref<32xi32, #tpu.memory_space<hbm>>) target(%arg5 : memref<32xi32, #tpu.memory_space<vmem>>) target_semaphore(%run_scoped3A : memref<!tpu.dma_semaphore, #tpu.memory_space<semaphore_mem>>)
      %dma_wait3A = tpu.memref_slice %arg3[%add3A_3, %mul3A_0] : memref<4x512xi32, #tpu.memory_space<hbm>> -> memref<1x32xi32, #tpu.memory_space<hbm>>
      %dma_wait3A_11 = tpu.memref_squeeze %dma_wait3A : memref<1x32xi32, #tpu.memory_space<hbm>> -> memref<32xi32, #tpu.memory_space<hbm>>
      %dma_wait3A_12 = tpu.memref_slice %arg3[%add3A_3, %mul3A_0] : memref<4x512xi32, #tpu.memory_space<hbm>> -> memref<1x32xi32, #tpu.memory_space<hbm>>
      %dma_wait3A_13 = tpu.memref_squeeze %dma_wait3A_12 : memref<1x32xi32, #tpu.memory_space<hbm>> -> memref<32xi32, #tpu.memory_space<hbm>>
      tpu.wait_dma2 semaphore(%run_scoped3A : memref<!tpu.dma_semaphore, #tpu.memory_space<semaphore_mem>>) src(%dma_wait3A_13 : memref<32xi32, #tpu.memory_space<hbm>>) dst(%arg5 : memref<32xi32, #tpu.memory_space<vmem>>)
      tpu.yield
    }) : () -> ()
    "tpu.region"() ({
      %run_scoped3A = tpu.sem_alloc : memref<!tpu.dma_semaphore, #tpu.memory_space<semaphore_mem>>
      %dma_start3A = arith.constant 0 : i32
      %dma_start3A_8 = arith.constant 0 : i32
      %dma_start3A_9 = tpu.memref_slice %arg2[%dma_start3A, %dma_start3A_8] : memref<8192x1024xf32, #tpu.memory_space<hbm>> -> memref<8192x1024xf32, #tpu.memory_space<hbm>>
      tpu.enqueue_indirect_dma source(%dma_start3A_9 : memref<8192x1024xf32, #tpu.memory_space<hbm>>) target(%arg6 : memref<32x1024xf32, #tpu.memory_space<vmem>>) offsets(%arg5 : memref<32xi32, #tpu.memory_space<vmem>>) semaphore(%run_scoped3A : memref<!tpu.dma_semaphore, #tpu.memory_space<semaphore_mem>>)
      %dma_wait3A = arith.constant 0 : i32
      %dma_wait3A_10 = arith.constant 0 : i32
      %dma_wait3A_11 = tpu.memref_slice %arg2[%dma_wait3A, %dma_wait3A_10] : memref<8192x1024xf32, #tpu.memory_space<hbm>> -> memref<8192x1024xf32, #tpu.memory_space<hbm>>
      tpu.wait_indirect_dma semaphore(%run_scoped3A : memref<!tpu.dma_semaphore, #tpu.memory_space<semaphore_mem>>) src(%dma_wait3A_11 : memref<8192x1024xf32, #tpu.memory_space<hbm>>) dst(%arg6 : memref<32x1024xf32, #tpu.memory_space<vmem>>)
      tpu.yield
    }) : () -> ()
    "tpu.region"() ({
      %run_scoped3A = tpu.sem_alloc : memref<!tpu.dma_semaphore, #tpu.memory_space<semaphore_mem>>
      %dma_start3A = arith.constant 0 : i32
      %dma_start3A_8 = tpu.memref_slice %arg4[%add3A_3, %mul3A_0, %dma_start3A] : memref<4x1536x1024xf32, #tpu.memory_space<hbm>> -> memref<1x32x1024xf32, #tpu.memory_space<hbm>>
      %dma_start3A_9 = tpu.memref_squeeze %dma_start3A_8 : memref<1x32x1024xf32, #tpu.memory_space<hbm>> -> memref<32x1024xf32, #tpu.memory_space<hbm>>
      %dma_start3A_10 = arith.constant 0 : i32
      %dma_start3A_11 = tpu.memref_slice %arg4[%add3A_3, %mul3A_0, %dma_start3A_10] : memref<4x1536x1024xf32, #tpu.memory_space<hbm>> -> memref<1x32x1024xf32, #tpu.memory_space<hbm>>
      %dma_start3A_12 = tpu.memref_squeeze %dma_start3A_11 : memref<1x32x1024xf32, #tpu.memory_space<hbm>> -> memref<32x1024xf32, #tpu.memory_space<hbm>>
      tpu.enqueue_dma source(%arg6 : memref<32x1024xf32, #tpu.memory_space<vmem>>) target(%dma_start3A_12 : memref<32x1024xf32, #tpu.memory_space<hbm>>) target_semaphore(%run_scoped3A : memref<!tpu.dma_semaphore, #tpu.memory_space<semaphore_mem>>)
      %dma_wait3A = arith.constant 0 : i32
      %dma_wait3A_13 = tpu.memref_slice %arg4[%add3A_3, %mul3A_0, %dma_wait3A] : memref<4x1536x1024xf32, #tpu.memory_space<hbm>> -> memref<1x32x1024xf32, #tpu.memory_space<hbm>>
      %dma_wait3A_14 = tpu.memref_squeeze %dma_wait3A_13 : memref<1x32x1024xf32, #tpu.memory_space<hbm>> -> memref<32x1024xf32, #tpu.memory_space<hbm>>
      %dma_wait3A_15 = arith.constant 0 : i32
      %dma_wait3A_16 = tpu.memref_slice %arg4[%add3A_3, %mul3A_0, %dma_wait3A_15] : memref<4x1536x1024xf32, #tpu.memory_space<hbm>> -> memref<1x32x1024xf32, #tpu.memory_space<hbm>>
      %dma_wait3A_17 = tpu.memref_squeeze %dma_wait3A_16 : memref<1x32x1024xf32, #tpu.memory_space<hbm>> -> memref<32x1024xf32, #tpu.memory_space<hbm>>
      tpu.wait_dma2 semaphore(%run_scoped3A : memref<!tpu.dma_semaphore, #tpu.memory_space<semaphore_mem>>) src(%arg6 : memref<32x1024xf32, #tpu.memory_space<vmem>>) dst(%dma_wait3A_17 : memref<32x1024xf32, #tpu.memory_space<hbm>>)
      tpu.yield
    }) : () -> ()
    %mul3A_4 = arith.constant 2 : i32
    %mul3A_5 = arith.muli %arg0, %mul3A_4 : i32
    %add3A_6 = arith.constant 1 : i32
    %add3A_7 = arith.addi %mul3A_5, %add3A_6 : i32
    "tpu.region"() ({
      %run_scoped3A = tpu.sem_alloc : memref<!tpu.dma_semaphore, #tpu.memory_space<semaphore_mem>>
      %dma_start3A = tpu.memref_slice %arg3[%add3A_7, %mul3A_0] : memref<4x512xi32, #tpu.memory_space<hbm>> -> memref<1x32xi32, #tpu.memory_space<hbm>>
      %dma_start3A_8 = tpu.memref_squeeze %dma_start3A : memref<1x32xi32, #tpu.memory_space<hbm>> -> memref<32xi32, #tpu.memory_space<hbm>>
      %dma_start3A_9 = tpu.memref_slice %arg3[%add3A_7, %mul3A_0] : memref<4x512xi32, #tpu.memory_space<hbm>> -> memref<1x32xi32, #tpu.memory_space<hbm>>
      %dma_start3A_10 = tpu.memref_squeeze %dma_start3A_9 : memref<1x32xi32, #tpu.memory_space<hbm>> -> memref<32xi32, #tpu.memory_space<hbm>>
      tpu.enqueue_dma source(%dma_start3A_10 : memref<32xi32, #tpu.memory_space<hbm>>) target(%arg5 : memref<32xi32, #tpu.memory_space<vmem>>) target_semaphore(%run_scoped3A : memref<!tpu.dma_semaphore, #tpu.memory_space<semaphore_mem>>)
      %dma_wait3A = tpu.memref_slice %arg3[%add3A_7, %mul3A_0] : memref<4x512xi32, #tpu.memory_space<hbm>> -> memref<1x32xi32, #tpu.memory_space<hbm>>
      %dma_wait3A_11 = tpu.memref_squeeze %dma_wait3A : memref<1x32xi32, #tpu.memory_space<hbm>> -> memref<32xi32, #tpu.memory_space<hbm>>
      %dma_wait3A_12 = tpu.memref_slice %arg3[%add3A_7, %mul3A_0] : memref<4x512xi32, #tpu.memory_space<hbm>> -> memref<1x32xi32, #tpu.memory_space<hbm>>
      %dma_wait3A_13 = tpu.memref_squeeze %dma_wait3A_12 : memref<1x32xi32, #tpu.memory_space<hbm>> -> memref<32xi32, #tpu.memory_space<hbm>>
      tpu.wait_dma2 semaphore(%run_scoped3A : memref<!tpu.dma_semaphore, #tpu.memory_space<semaphore_mem>>) src(%dma_wait3A_13 : memref<32xi32, #tpu.memory_space<hbm>>) dst(%arg5 : memref<32xi32, #tpu.memory_space<vmem>>)
      tpu.yield
    }) : () -> ()
    "tpu.region"() ({
      %run_scoped3A = tpu.sem_alloc : memref<!tpu.dma_semaphore, #tpu.memory_space<semaphore_mem>>
      %dma_start3A = arith.constant 0 : i32
      %dma_start3A_8 = arith.constant 0 : i32
      %dma_start3A_9 = tpu.memref_slice %arg2[%dma_start3A, %dma_start3A_8] : memref<8192x1024xf32, #tpu.memory_space<hbm>> -> memref<8192x1024xf32, #tpu.memory_space<hbm>>
      tpu.enqueue_indirect_dma source(%dma_start3A_9 : memref<8192x1024xf32, #tpu.memory_space<hbm>>) target(%arg6 : memref<32x1024xf32, #tpu.memory_space<vmem>>) offsets(%arg5 : memref<32xi32, #tpu.memory_space<vmem>>) semaphore(%run_scoped3A : memref<!tpu.dma_semaphore, #tpu.memory_space<semaphore_mem>>)
      %dma_wait3A = arith.constant 0 : i32
      %dma_wait3A_10 = arith.constant 0 : i32
      %dma_wait3A_11 = tpu.memref_slice %arg2[%dma_wait3A, %dma_wait3A_10] : memref<8192x1024xf32, #tpu.memory_space<hbm>> -> memref<8192x1024xf32, #tpu.memory_space<hbm>>
      tpu.wait_indirect_dma semaphore(%run_scoped3A : memref<!tpu.dma_semaphore, #tpu.memory_space<semaphore_mem>>) src(%dma_wait3A_11 : memref<8192x1024xf32, #tpu.memory_space<hbm>>) dst(%arg6 : memref<32x1024xf32, #tpu.memory_space<vmem>>)
      tpu.yield
    }) : () -> ()
    "tpu.region"() ({
      %run_scoped3A = tpu.sem_alloc : memref<!tpu.dma_semaphore, #tpu.memory_space<semaphore_mem>>
      %dma_start3A = arith.constant 0 : i32
      %dma_start3A_8 = tpu.memref_slice %arg4[%add3A_7, %mul3A_0, %dma_start3A] : memref<4x1536x1024xf32, #tpu.memory_space<hbm>> -> memref<1x32x1024xf32, #tpu.memory_space<hbm>>
      %dma_start3A_9 = tpu.memref_squeeze %dma_start3A_8 : memref<1x32x1024xf32, #tpu.memory_space<hbm>> -> memref<32x1024xf32, #tpu.memory_space<hbm>>
      %dma_start3A_10 = arith.constant 0 : i32
      %dma_start3A_11 = tpu.memref_slice %arg4[%add3A_7, %mul3A_0, %dma_start3A_10] : memref<4x1536x1024xf32, #tpu.memory_space<hbm>> -> memref<1x32x1024xf32, #tpu.memory_space<hbm>>
      %dma_start3A_12 = tpu.memref_squeeze %dma_start3A_11 : memref<1x32x1024xf32, #tpu.memory_space<hbm>> -> memref<32x1024xf32, #tpu.memory_space<hbm>>
      tpu.enqueue_dma source(%arg6 : memref<32x1024xf32, #tpu.memory_space<vmem>>) target(%dma_start3A_12 : memref<32x1024xf32, #tpu.memory_space<hbm>>) target_semaphore(%run_scoped3A : memref<!tpu.dma_semaphore, #tpu.memory_space<semaphore_mem>>)
      %dma_wait3A = arith.constant 0 : i32
      %dma_wait3A_13 = tpu.memref_slice %arg4[%add3A_7, %mul3A_0, %dma_wait3A] : memref<4x1536x1024xf32, #tpu.memory_space<hbm>> -> memref<1x32x1024xf32, #tpu.memory_space<hbm>>
      %dma_wait3A_14 = tpu.memref_squeeze %dma_wait3A_13 : memref<1x32x1024xf32, #tpu.memory_space<hbm>> -> memref<32x1024xf32, #tpu.memory_space<hbm>>
      %dma_wait3A_15 = arith.constant 0 : i32
      %dma_wait3A_16 = tpu.memref_slice %arg4[%add3A_7, %mul3A_0, %dma_wait3A_15] : memref<4x1536x1024xf32, #tpu.memory_space<hbm>> -> memref<1x32x1024xf32, #tpu.memory_space<hbm>>
      %dma_wait3A_17 = tpu.memref_squeeze %dma_wait3A_16 : memref<1x32x1024xf32, #tpu.memory_space<hbm>> -> memref<32x1024xf32, #tpu.memory_space<hbm>>
      tpu.wait_dma2 semaphore(%run_scoped3A : memref<!tpu.dma_semaphore, #tpu.memory_space<semaphore_mem>>) src(%arg6 : memref<32x1024xf32, #tpu.memory_space<vmem>>) dst(%dma_wait3A_17 : memref<32x1024xf32, #tpu.memory_space<hbm>>)
      tpu.yield
    }) : () -> ()
    return
  }
}

module attributes {stable_mosaic.version = 14 : i64} {
  func.func @_select_body(%arg0: i32, %arg1: memref<1x1024x2048xf32, #tpu.memory_space<vmem>>, %arg2: memref<1x1x512xi32, #tpu.memory_space<vmem>>, %arg3: memref<1x1x1024xi32, #tpu.memory_space<vmem>>, %arg4: memref<1x2x1024xi32, #tpu.memory_space<vmem>>) attributes {dimension_semantics = [#tpu.dimension_semantics<arbitrary>], iteration_bounds = array<i64: 4>, scalar_prefetch = 0 : i64, scratch_operands = 0 : i64, tpu.core_type = #tpu.core_type<tc>, window_params = [{transform_indices = @transform_0, window_bounds = array<i64: 1, 1024, 2048>}, {transform_indices = @transform_1, window_bounds = array<i64: 1, 1, 512>}, {transform_indices = @transform_2, window_bounds = array<i64: 1, 1, 1024>}, {transform_indices = @transform_3, window_bounds = array<i64: 1, 2, 1024>}]} {
    %get3A = arith.constant 0 : index
    %get3A_0 = arith.constant 0 : index
    %get3A_1 = arith.constant 0 : index
    %get3A_2 = vector.load %arg1[%get3A, %get3A_0, %get3A_1] : memref<1x1024x2048xf32, #tpu.memory_space<vmem>>, vector<1x1024x2048xf32>
    %get3A_3 = vector.shape_cast %get3A_2 : vector<1x1024x2048xf32> to vector<1024x2048xf32>
    %slice3A = vector.extract_strided_slice %get3A_3 {offsets = [0, 0], sizes = [1024, 1024], strides = [1, 1]} : vector<1024x2048xf32> to vector<1024x1024xf32>
    %slice3A_4 = vector.extract_strided_slice %get3A_3 {offsets = [0, 1024], sizes = [1024, 1024], strides = [1, 1]} : vector<1024x2048xf32> to vector<1024x1024xf32>
    %mul3A = arith.mulf %slice3A, %slice3A : vector<1024x1024xf32>
    %reduce_sum3A = arith.constant dense<0.000000e+00> : vector<1024xf32>
    %reduce_sum3A_5 = vector.multi_reduction <add>, %mul3A, %reduce_sum3A [1] : vector<1024x1024xf32> to vector<1024xf32>
    %broadcast_in_dim3A = vector.shape_cast %reduce_sum3A_5 : vector<1024xf32> to vector<1024x1xf32>
    %sqrt3A = math.sqrt %broadcast_in_dim3A : vector<1024x1xf32>
    %add3A = arith.constant 9.99999996E-13 : f32
    %add3A_6 = vector.broadcast %add3A : f32 to vector<1024x1xf32>
    %add3A_7 = arith.addf %sqrt3A, %add3A_6 : vector<1024x1xf32>
    %div3A = vector.broadcast %add3A_7 : vector<1024x1xf32> to vector<1024x1024xf32>
    %div3A_8 = arith.divf %slice3A, %div3A : vector<1024x1024xf32>
    %mul3A_9 = arith.mulf %slice3A_4, %slice3A_4 : vector<1024x1024xf32>
    %reduce_sum3A_10 = arith.constant dense<0.000000e+00> : vector<1024xf32>
    %reduce_sum3A_11 = vector.multi_reduction <add>, %mul3A_9, %reduce_sum3A_10 [1] : vector<1024x1024xf32> to vector<1024xf32>
    %broadcast_in_dim3A_12 = vector.shape_cast %reduce_sum3A_11 : vector<1024xf32> to vector<1024x1xf32>
    %sqrt3A_13 = math.sqrt %broadcast_in_dim3A_12 : vector<1024x1xf32>
    %add3A_14 = arith.constant 9.99999996E-13 : f32
    %add3A_15 = vector.broadcast %add3A_14 : f32 to vector<1024x1xf32>
    %add3A_16 = arith.addf %sqrt3A_13, %add3A_15 : vector<1024x1xf32>
    %div3A_17 = vector.broadcast %add3A_16 : vector<1024x1xf32> to vector<1024x1024xf32>
    %div3A_18 = arith.divf %slice3A_4, %div3A_17 : vector<1024x1024xf32>
    %dot_general3A = arith.constant dense<0.000000e+00> : vector<1024x1024xf32>
    %dot_general3A_19 = tpu.matmul %div3A_8, %div3A_18, %dot_general3A {dimension_numbers = #tpu.dot_dimension_numbers<[1], [1], [0], [0], [0, 0, 1, 0], [], []>, transpose_lhs_hint = false} : vector<1024x1024xf32>, vector<1024x1024xf32>, vector<1024x1024xf32> -> vector<1024x1024xf32>
    %iota3A = tpu.iota {dimensions = array<i32: 0>} : vector<1024x1024xi32>
    %iota3A_20 = tpu.iota {dimensions = array<i32: 1>} : vector<1024x1024xi32>
    %eq3A = arith.constant 0 : i32
    %eq3A_21 = vector.broadcast %eq3A : i32 to vector<1024x1024xi32>
    %eq3A_22 = arith.cmpi eq, %iota3A, %eq3A_21 : vector<1024x1024xi32>
    %jit3A = arith.constant 0xFF800000 : f32
    %broadcast_in_dim3A_23 = vector.broadcast %jit3A : f32 to vector<1024x1024xf32>
    %select_n3A = arith.select %eq3A_22, %broadcast_in_dim3A_23, %dot_general3A_19 : vector<1024x1024xi1>, vector<1024x1024xf32>
    %transpose3A = tpu.transpose %select_n3A, [1, 0] : vector<1024x1024xf32> -> vector<1024x1024xf32>
    %reduce_max3A = arith.constant dense<0xFF800000> : vector<1024xf32>
    %reduce_max3A_24 = vector.multi_reduction <maximumf>, %select_n3A, %reduce_max3A [1] : vector<1024x1024xf32> to vector<1024xf32>
    %broadcast_in_dim3A_25 = vector.shape_cast %reduce_max3A_24 : vector<1024xf32> to vector<1024x1xf32>
    %reduce_max3A_26 = arith.constant dense<0xFF800000> : vector<1024xf32>
    %reduce_max3A_27 = vector.multi_reduction <maximumf>, %transpose3A, %reduce_max3A_26 [0] : vector<1024x1024xf32> to vector<1024xf32>
    %broadcast_in_dim3A_28 = vector.shape_cast %reduce_max3A_27 : vector<1024xf32> to vector<1x1024xf32>
    %eq3A_29 = vector.broadcast %broadcast_in_dim3A_28 : vector<1x1024xf32> to vector<1024x1024xf32>
    %eq3A_30 = arith.cmpf oeq, %transpose3A, %eq3A_29 : vector<1024x1024xf32>
    %jit3A_31 = arith.constant 1024 : i32
    %broadcast_in_dim3A_32 = vector.broadcast %jit3A_31 : i32 to vector<1024x1024xi32>
    %select_n3A_33 = arith.select %eq3A_30, %iota3A, %broadcast_in_dim3A_32 : vector<1024x1024xi1>, vector<1024x1024xi32>
    %reduce_min3A = arith.constant dense<2147483647> : vector<1024xi32>
    %reduce_min3A_34 = vector.multi_reduction <minsi>, %select_n3A_33, %reduce_min3A [0] : vector<1024x1024xi32> to vector<1024xi32>
    %broadcast_in_dim3A_35 = vector.shape_cast %reduce_min3A_34 : vector<1024xi32> to vector<1x1024xi32>
    %gt3A = vector.broadcast %broadcast_in_dim3A_28 : vector<1x1024xf32> to vector<1024x1024xf32>
    %gt3A_36 = vector.broadcast %broadcast_in_dim3A_25 : vector<1024x1xf32> to vector<1024x1024xf32>
    %gt3A_37 = arith.cmpf ogt, %gt3A, %gt3A_36 : vector<1024x1024xf32>
    %eq3A_38 = vector.broadcast %broadcast_in_dim3A_28 : vector<1x1024xf32> to vector<1024x1024xf32>
    %eq3A_39 = vector.broadcast %broadcast_in_dim3A_25 : vector<1024x1xf32> to vector<1024x1024xf32>
    %eq3A_40 = arith.cmpf oeq, %eq3A_38, %eq3A_39 : vector<1024x1024xf32>
    %lt3A = arith.cmpi slt, %iota3A_20, %iota3A : vector<1024x1024xi32>
    %and3A = arith.andi %eq3A_40, %lt3A : vector<1024x1024xi1>
    %or3A = arith.ori %gt3A_37, %and3A : vector<1024x1024xi1>
    %convert_element_type3A = arith.extui %or3A : vector<1024x1024xi1> to vector<1024x1024xi32>
    %reduce_sum3A_41 = arith.constant dense<0> : vector<1024xi32>
    %reduce_sum3A_42 = vector.multi_reduction <add>, %convert_element_type3A, %reduce_sum3A_41 [1] : vector<1024x1024xi32> to vector<1024xi32>
    %broadcast_in_dim3A_43 = vector.shape_cast %reduce_sum3A_42 : vector<1024xi32> to vector<1024x1xi32>
    %gt3A_44 = vector.broadcast %broadcast_in_dim3A_25 : vector<1024x1xf32> to vector<1024x1024xf32>
    %gt3A_45 = vector.broadcast %broadcast_in_dim3A_28 : vector<1x1024xf32> to vector<1024x1024xf32>
    %gt3A_46 = arith.cmpf ogt, %gt3A_44, %gt3A_45 : vector<1024x1024xf32>
    %eq3A_47 = vector.broadcast %broadcast_in_dim3A_25 : vector<1024x1xf32> to vector<1024x1024xf32>
    %eq3A_48 = vector.broadcast %broadcast_in_dim3A_28 : vector<1x1024xf32> to vector<1024x1024xf32>
    %eq3A_49 = arith.cmpf oeq, %eq3A_47, %eq3A_48 : vector<1024x1024xf32>
    %lt3A_50 = arith.cmpi slt, %iota3A, %iota3A_20 : vector<1024x1024xi32>
    %and3A_51 = arith.andi %eq3A_49, %lt3A_50 : vector<1024x1024xi1>
    %or3A_52 = arith.ori %gt3A_46, %and3A_51 : vector<1024x1024xi1>
    %convert_element_type3A_53 = arith.extui %or3A_52 : vector<1024x1024xi1> to vector<1024x1024xi32>
    %reduce_sum3A_54 = arith.constant dense<0> : vector<1024xi32>
    %reduce_sum3A_55 = vector.multi_reduction <add>, %convert_element_type3A_53, %reduce_sum3A_54 [0] : vector<1024x1024xi32> to vector<1024xi32>
    %broadcast_in_dim3A_56 = vector.shape_cast %reduce_sum3A_55 : vector<1024xi32> to vector<1x1024xi32>
    %lt3A_57 = arith.constant 512 : i32
    %lt3A_58 = vector.broadcast %lt3A_57 : i32 to vector<1x1024xi32>
    %lt3A_59 = arith.cmpi slt, %broadcast_in_dim3A_56, %lt3A_58 : vector<1x1024xi32>
    %ge3A = arith.constant 512 : i32
    %ge3A_60 = vector.broadcast %ge3A : i32 to vector<1024x1xi32>
    %ge3A_61 = arith.cmpi sge, %broadcast_in_dim3A_43, %ge3A_60 : vector<1024x1xi32>
    %convert_element_type3A_62 = arith.extui %ge3A_61 : vector<1024x1xi1> to vector<1024x1xi32>
    %lt3A_63 = arith.cmpi slt, %iota3A, %iota3A_20 : vector<1024x1024xi32>
    %jit3A_64 = arith.constant 0 : i32
    %broadcast_in_dim3A_65 = vector.shape_cast %convert_element_type3A_62 : vector<1024x1xi32> to vector<1024x1xi32>
    %broadcast_in_dim3A_66 = vector.broadcast %broadcast_in_dim3A_65 : vector<1024x1xi32> to vector<1024x1024xi32>
    %broadcast_in_dim3A_67 = vector.broadcast %jit3A_64 : i32 to vector<1024x1024xi32>
    %select_n3A_68 = arith.select %lt3A_63, %broadcast_in_dim3A_66, %broadcast_in_dim3A_67 : vector<1024x1024xi1>, vector<1024x1024xi32>
    %reduce_sum3A_69 = arith.constant dense<0> : vector<1024xi32>
    %reduce_sum3A_70 = vector.multi_reduction <add>, %select_n3A_68, %reduce_sum3A_69 [0] : vector<1024x1024xi32> to vector<1024xi32>
    %broadcast_in_dim3A_71 = vector.shape_cast %reduce_sum3A_70 : vector<1024xi32> to vector<1x1024xi32>
    %lt3A_72 = arith.cmpi slt, %iota3A_20, %iota3A : vector<1024x1024xi32>
    %ge3A_73 = arith.constant 512 : i32
    %ge3A_74 = vector.broadcast %ge3A_73 : i32 to vector<1x1024xi32>
    %ge3A_75 = arith.cmpi sge, %broadcast_in_dim3A_56, %ge3A_74 : vector<1x1024xi32>
    %and3A_76 = vector.broadcast %ge3A_75 : vector<1x1024xi1> to vector<1024x1024xi1>
    %and3A_77 = arith.andi %lt3A_72, %and3A_76 : vector<1024x1024xi1>
    %jit3A_78 = arith.constant 1 : i32
    %jit3A_79 = arith.constant 0 : i32
    %broadcast_in_dim3A_80 = vector.broadcast %jit3A_78 : i32 to vector<1024x1024xi32>
    %broadcast_in_dim3A_81 = vector.broadcast %jit3A_79 : i32 to vector<1024x1024xi32>
    %select_n3A_82 = arith.select %and3A_77, %broadcast_in_dim3A_80, %broadcast_in_dim3A_81 : vector<1024x1024xi1>, vector<1024x1024xi32>
    %reduce_sum3A_83 = arith.constant dense<0> : vector<1024xi32>
    %reduce_sum3A_84 = vector.multi_reduction <add>, %select_n3A_82, %reduce_sum3A_83 [1] : vector<1024x1024xi32> to vector<1024xi32>
    %broadcast_in_dim3A_85 = vector.shape_cast %reduce_sum3A_84 : vector<1024xi32> to vector<1024x1xi32>
    %iota3A_86 = tpu.iota {dimensions = array<i32: 0>} : vector<1024x512xi32>
    %iota3A_87 = tpu.iota {dimensions = array<i32: 1>} : vector<1024x512xi32>
    %eq3A_88 = vector.broadcast %broadcast_in_dim3A_85 : vector<1024x1xi32> to vector<1024x512xi32>
    %eq3A_89 = arith.cmpi eq, %eq3A_88, %iota3A_87 : vector<1024x512xi32>
    %ge3A_90 = arith.constant 512 : i32
    %ge3A_91 = vector.broadcast %ge3A_90 : i32 to vector<1024x1xi32>
    %ge3A_92 = arith.cmpi sge, %broadcast_in_dim3A_43, %ge3A_91 : vector<1024x1xi32>
    %and3A_93 = vector.broadcast %ge3A_92 : vector<1024x1xi1> to vector<1024x512xi1>
    %and3A_94 = arith.andi %eq3A_89, %and3A_93 : vector<1024x512xi1>
    %jit3A_95 = arith.constant 0 : i32
    %broadcast_in_dim3A_96 = vector.broadcast %jit3A_95 : i32 to vector<1024x512xi32>
    %select_n3A_97 = arith.select %and3A_94, %iota3A_86, %broadcast_in_dim3A_96 : vector<1024x512xi1>, vector<1024x512xi32>
    %reduce_sum3A_98 = arith.constant dense<0> : vector<512xi32>
    %reduce_sum3A_99 = vector.multi_reduction <add>, %select_n3A_97, %reduce_sum3A_98 [0] : vector<1024x512xi32> to vector<512xi32>
    %broadcast_in_dim3A_100 = vector.shape_cast %reduce_sum3A_99 : vector<512xi32> to vector<1x512xi32>
    %mul3A_101 = arith.constant 2048 : i32
    %mul3A_102 = arith.muli %arg0, %mul3A_101 : i32
    %mul3A_103 = arith.constant 2 : i32
    %mul3A_104 = vector.broadcast %mul3A_103 : i32 to vector<1x512xi32>
    %mul3A_105 = arith.muli %mul3A_104, %broadcast_in_dim3A_100 : vector<1x512xi32>
    %add3A_106 = vector.broadcast %mul3A_102 : i32 to vector<1x512xi32>
    %add3A_107 = arith.addi %add3A_106, %mul3A_105 : vector<1x512xi32>
    %swap3A = arith.constant 0 : index
    %swap3A_108 = arith.constant 0 : index
    %swap3A_109 = arith.constant 0 : index
    %swap3A_110 = vector.load %arg2[%swap3A, %swap3A_108, %swap3A_109] : memref<1x1x512xi32, #tpu.memory_space<vmem>>, vector<1x1x512xi32>
    %swap3A_111 = vector.shape_cast %swap3A_110 : vector<1x1x512xi32> to vector<1x512xi32>
    %swap3A_112 = vector.shape_cast %add3A_107 : vector<1x512xi32> to vector<1x1x512xi32>
    tpu.vector_store %arg2[%swap3A, %swap3A_108, %swap3A_109], %swap3A_112 {strides = array<i32>} : memref<1x1x512xi32, #tpu.memory_space<vmem>>, vector<1x1x512xi32>,
    %jit3A_113 = arith.constant -1 : i32
    %broadcast_in_dim3A_114 = vector.broadcast %jit3A_113 : i32 to vector<1x1024xi32>
    %select_n3A_115 = arith.select %lt3A_59, %broadcast_in_dim3A_35, %broadcast_in_dim3A_114 : vector<1x1024xi1>, vector<1x1024xi32>
    %swap3A_116 = arith.constant 0 : index
    %swap3A_117 = arith.constant 0 : index
    %swap3A_118 = arith.constant 0 : index
    %swap3A_119 = vector.load %arg3[%swap3A_116, %swap3A_117, %swap3A_118] : memref<1x1x1024xi32, #tpu.memory_space<vmem>>, vector<1x1x1024xi32>
    %swap3A_120 = vector.shape_cast %swap3A_119 : vector<1x1x1024xi32> to vector<1x1024xi32>
    %swap3A_121 = vector.shape_cast %select_n3A_115 : vector<1x1024xi32> to vector<1x1x1024xi32>
    tpu.vector_store %arg3[%swap3A_116, %swap3A_117, %swap3A_118], %swap3A_121 {strides = array<i32>} : memref<1x1x1024xi32, #tpu.memory_space<vmem>>, vector<1x1x1024xi32>,
    %add3A_122 = arith.constant 512 : i32
    %add3A_123 = vector.broadcast %add3A_122 : i32 to vector<1x1024xi32>
    %add3A_124 = arith.addi %broadcast_in_dim3A_35, %add3A_123 : vector<1x1024xi32>
    %select_n3A_125 = arith.select %lt3A_59, %add3A_124, %broadcast_in_dim3A_71 : vector<1x1024xi1>, vector<1x1024xi32>
    %iota3A_126 = tpu.iota {dimensions = array<i32: 1>} : vector<1x1024xi32>
    %add3A_127 = arith.constant 512 : i32
    %add3A_128 = vector.broadcast %add3A_127 : i32 to vector<1x1024xi32>
    %add3A_129 = arith.addi %iota3A_126, %add3A_128 : vector<1x1024xi32>
    %swap3A_130 = arith.constant 0 : index
    %swap3A_131 = arith.constant 0 : index
    %swap3A_132 = arith.constant 0 : index
    %swap3A_133 = vector.load %arg4[%swap3A_130, %swap3A_131, %swap3A_132] : memref<1x2x1024xi32, #tpu.memory_space<vmem>>, vector<1x1x1024xi32>
    %swap3A_134 = vector.shape_cast %swap3A_133 : vector<1x1x1024xi32> to vector<1x1024xi32>
    %swap3A_135 = vector.shape_cast %select_n3A_125 : vector<1x1024xi32> to vector<1x1x1024xi32>
    tpu.vector_store %arg4[%swap3A_130, %swap3A_131, %swap3A_132], %swap3A_135 {strides = array<i32>} : memref<1x2x1024xi32, #tpu.memory_space<vmem>>, vector<1x1x1024xi32>,
    %swap3A_136 = arith.constant 0 : index
    %swap3A_137 = arith.constant 1 : index
    %swap3A_138 = arith.constant 0 : index
    %swap3A_139 = vector.load %arg4[%swap3A_136, %swap3A_137, %swap3A_138] : memref<1x2x1024xi32, #tpu.memory_space<vmem>>, vector<1x1x1024xi32>
    %swap3A_140 = vector.shape_cast %swap3A_139 : vector<1x1x1024xi32> to vector<1x1024xi32>
    %swap3A_141 = vector.shape_cast %add3A_129 : vector<1x1024xi32> to vector<1x1x1024xi32>
    tpu.vector_store %arg4[%swap3A_136, %swap3A_137, %swap3A_138], %swap3A_141 {strides = array<i32>} : memref<1x2x1024xi32, #tpu.memory_space<vmem>>, vector<1x1x1024xi32>,
    return
  }
  func.func @transform_0(%arg0: i32) -> (i32, i32, i32) {
    %c0_i32 = arith.constant 0 : i32
    %c0_i32_0 = arith.constant 0 : i32
    %c0_i32_1 = arith.constant 0 : i32
    return %arg0, %c0_i32, %c0_i32_0 : i32, i32, i32
  }
  func.func @transform_1(%arg0: i32) -> (i32, i32, i32) {
    %c0_i32 = arith.constant 0 : i32
    %c0_i32_0 = arith.constant 0 : i32
    %c0_i32_1 = arith.constant 0 : i32
    return %arg0, %c0_i32, %c0_i32_0 : i32, i32, i32
  }
  func.func @transform_2(%arg0: i32) -> (i32, i32, i32) {
    %c0_i32 = arith.constant 0 : i32
    %c0_i32_0 = arith.constant 0 : i32
    %c0_i32_1 = arith.constant 0 : i32
    return %arg0, %c0_i32, %c0_i32_0 : i32, i32, i32
  }
  func.func @transform_3(%arg0: i32) -> (i32, i32, i32) {
    %c0_i32 = arith.constant 0 : i32
    %c0_i32_0 = arith.constant 0 : i32
    %c0_i32_1 = arith.constant 0 : i32
    return %arg0, %c0_i32, %c0_i32_0 : i32, i32, i32
  }
}

module attributes {stable_mosaic.version = 14 : i64} {
  func.func @_merge_body(%arg0: i32, %arg1: i32, %arg2: i32, %arg3: memref<1x1024x512xf32, #tpu.memory_space<vmem>>, %arg4: memref<1x512x512xf32, #tpu.memory_space<vmem>>, %arg5: memref<1x1x1024xi32, #tpu.memory_space<vmem>>, %arg6: memref<4x1536x1024xf32, #tpu.memory_space<any>>, %arg7: memref<1x512x512xf32, #tpu.memory_space<vmem>>) attributes {dimension_semantics = [#tpu.dimension_semantics<arbitrary>, #tpu.dimension_semantics<arbitrary>, #tpu.dimension_semantics<arbitrary>], iteration_bounds = array<i64: 4, 2, 2>, scalar_prefetch = 0 : i64, scratch_operands = 0 : i64, tpu.core_type = #tpu.core_type<tc>, window_params = [{transform_indices = @transform_0, window_bounds = array<i64: 1, 1024, 512>}, {transform_indices = @transform_1, window_bounds = array<i64: 1, 512, 512>}, {transform_indices = @transform_2, window_bounds = array<i64: 1, 1, 1024>}, {}, {transform_indices = @transform_4, window_bounds = array<i64: 1, 512, 512>}]} {
    %get3A = arith.constant 0 : index
    %get3A_0 = arith.constant 0 : index
    %get3A_1 = arith.constant 0 : index
    %get3A_2 = vector.load %arg3[%get3A, %get3A_0, %get3A_1] : memref<1x1024x512xf32, #tpu.memory_space<vmem>>, vector<1x1024x512xf32>
    %get3A_3 = vector.shape_cast %get3A_2 : vector<1x1024x512xf32> to vector<1024x512xf32>
    %get3A_4 = arith.constant 0 : index
    %get3A_5 = arith.constant 0 : index
    %get3A_6 = arith.constant 0 : index
    %get3A_7 = vector.load %arg4[%get3A_4, %get3A_5, %get3A_6] : memref<1x512x512xf32, #tpu.memory_space<vmem>>, vector<1x512x512xf32>
    %get3A_8 = vector.shape_cast %get3A_7 : vector<1x512x512xf32> to vector<512x512xf32>
    %get3A_9 = arith.constant 0 : index
    %get3A_10 = arith.constant 0 : index
    %get3A_11 = arith.constant 0 : index
    %get3A_12 = vector.load %arg5[%get3A_9, %get3A_10, %get3A_11] : memref<1x1x1024xi32, #tpu.memory_space<vmem>>, vector<1x1x1024xi32>
    %get3A_13 = vector.shape_cast %get3A_12 : vector<1x1x1024xi32> to vector<1x1024xi32>
    %iota3A = tpu.iota {dimensions = array<i32: 0>} : vector<512x1024xi32>
    %mul3A = arith.constant 512 : i32
    %mul3A_14 = arith.muli %arg2, %mul3A : i32
    %add3A = vector.broadcast %mul3A_14 : i32 to vector<512x1024xi32>
    %add3A_15 = arith.addi %iota3A, %add3A : vector<512x1024xi32>
    %eq3A = vector.broadcast %get3A_13 : vector<1x1024xi32> to vector<512x1024xi32>
    %eq3A_16 = arith.cmpi eq, %eq3A, %add3A_15 : vector<512x1024xi32>
    %convert_element_type3A = arith.extui %eq3A_16 : vector<512x1024xi1> to vector<512x1024xi32>
    %convert_element_type3A_17 = arith.sitofp %convert_element_type3A : vector<512x1024xi32> to vector<512x1024xf32>
    %dot_general3A = arith.constant dense<0.000000e+00> : vector<512x512xf32>
    %dot_general3A_18 = tpu.matmul %convert_element_type3A_17, %get3A_3, %dot_general3A {dimension_numbers = #tpu.dot_dimension_numbers<[1], [0], [0], [1], [0, 0, 1, 1], [], []>, transpose_lhs_hint = false} : vector<512x1024xf32>, vector<1024x512xf32>, vector<512x512xf32> -> vector<512x512xf32>
    %add3A_19 = arith.addf %get3A_8, %dot_general3A_18 : vector<512x512xf32>
    %swap3A = arith.constant 0 : index
    %swap3A_20 = arith.constant 0 : index
    %swap3A_21 = arith.constant 0 : index
    %swap3A_22 = vector.load %arg7[%swap3A, %swap3A_20, %swap3A_21] : memref<1x512x512xf32, #tpu.memory_space<vmem>>, vector<1x512x512xf32>
    %swap3A_23 = vector.shape_cast %swap3A_22 : vector<1x512x512xf32> to vector<512x512xf32>
    %swap3A_24 = vector.shape_cast %add3A_19 : vector<512x512xf32> to vector<1x512x512xf32>
    tpu.vector_store %arg7[%swap3A, %swap3A_20, %swap3A_21], %swap3A_24 {strides = array<i32>} : memref<1x512x512xf32, #tpu.memory_space<vmem>>, vector<1x512x512xf32>,
    return
  }
  func.func @transform_0(%arg0: i32, %arg1: i32, %arg2: i32) -> (i32, i32, i32) {
    %c0_i32 = arith.constant 0 : i32
    %c0_i32_0 = arith.constant 0 : i32
    return %arg0, %c0_i32, %arg1 : i32, i32, i32
  }
  func.func @transform_1(%arg0: i32, %arg1: i32, %arg2: i32) -> (i32, i32, i32) {
    %add3A = arith.constant 2 : i32
    %add3A_0 = arith.addi %add3A, %arg1 : i32
    %c0_i32 = arith.constant 0 : i32
    return %arg0, %arg2, %add3A_0 : i32, i32, i32
  }
  func.func @transform_2(%arg0: i32, %arg1: i32, %arg2: i32) -> (i32, i32, i32) {
    %c0_i32 = arith.constant 0 : i32
    %c0_i32_0 = arith.constant 0 : i32
    %c0_i32_1 = arith.constant 0 : i32
    return %arg0, %c0_i32, %c0_i32_0 : i32, i32, i32
  }
  func.func @transform_4(%arg0: i32, %arg1: i32, %arg2: i32) -> (i32, i32, i32) {
    %add3A = arith.constant 1 : i32
    %add3A_0 = arith.addi %add3A, %arg2 : i32
    %c0_i32 = arith.constant 0 : i32
    return %arg0, %add3A_0, %arg1 : i32, i32, i32
  }
}

</mosaic_0001>

<sc_bundles>
// kernel: kernel.5.cloned.1.call-start
scs
__scs_entry_jumppad:
0x0: {  	(pc) =	sbr.rel $0x88, $3  }
0x1: {  	(tag) =	ssettag $0x0;
	lr =	simm.s32 $0x1  }
0x2: {  	[smem:$0x3F9F] =	sst lr;
	_ =	strace $0xD0000000  }
0x3: {  	_ = 	snop  }
0x4: {  	_ = 	snop  }
0x5: {  	_ = 	snop  }
0x6: {  	_ = 	snop  }
0x7: {  	_ = 	snop  }
__scs_overlays_trampoline_lowered:
0x8: {  	[smem:$0x3FAE] =	sst s0  }
0x9: {  	[smem:$0x3FAF] =	sst s1  }
0xa: {  	[smem:$0x3FB0] =	sst s2  }
0xb: {  	[smem:$0x3FB1] =	sst s3  }
0xc: {  	[smem:$0x3FB2] =	sst s4  }
0xd: {  	[smem:$0x3FB3] =	sst s5  }
0xe: {  	[smem:$0x3FB4] =	sst s6  }
0xf: {  	[smem:$0x3FB5] =	sst s7  }
0x10: {  	[smem:$0x3FB6] =	sst s8  }
0x11: {  	[smem:$0x3FB7] =	sst s9;
	s0 =	simm.s32 @!p0 $0x0  }
0x12: {  	s1 =	sld [smem:$0x3F9D];
	s0 =	simm.s32 @p0 $0x1  }
0x13: {  	[smem:$0x3FB8] =	sst s0;
	s0 =	simm.s32 @!p1 $0x0  }
0x14: {  	s2 =	sld [smem:$0x3F9C];
	s0 =	simm.s32 @p1 $0x1  }
0x15: {  	[smem:$0x3FB9] =	sst s0;
	s0 =	simm.s32 @!p2 $0x0  }
0x16: {  	s3 =	sld [smem:$0x3FDB];
	s0 =	simm.s32 @p2 $0x1  }
0x17: {  	s4 =	simm.s32 $0x1BF5;
	[smem:$0x3FBB] =	sst s0  }
0x18: {  	s0 =	sld [smem:$0x3F9E];
	_ =	swait.ge [sflag:s4], $0x0  }
0x19: {  	s7 =	sld [smem:$0x3F9F]  }
0x1a: {  	s8 =	sadd.s32 $0xFFFFE003, lr  }
0x1b: {  	s9 =	sadd.s32 $0xFFFFFEF7, lr;
	s5 =	simm.s32 $0xFFFFFFFF;
	p2 =	slt.u32 s8, $0xFFFFF086  }
0x1c: {  	p1 =	slt.u32 s9, $0xF7A;
	s5 =	simm.s32 @!p2 $0x0  }
0x1d: {  	s5 =	simm.s32 @p1 $0x1;
	p0 =	seq.s32 s7, s2  }
0x1e: {  	s7 =	smul.u32 @!p0 $0xF7A, s2;
	p2 =	seq.s32 @!p0 s5, $0x0  }
0x1f: {  	s9 =	smul.u32 $0xF7A, s1;
	s8 =	simm.s32 @!p0 $0x1BF5;
	p2 =	por !p2, p0  }
0x20: {  	[sflag:s8] =	ssyncset.s32 @!p0 $0xFFFFF086;
	s6 =	sadd.s32 @!p0 s3, s7;
	s7 =	simm.s32 @!p0 $0x108  }
0x21: {  	s3 =	sadd.s32 s3, s9;
	s6 =	sadd.s32 @!p0 $0x88, s6;
	s7 =	simm.s32 @p2 $0x1082  }
0x22: {  	[simem:s7], [sflag:s8] =	dma.local @!p0 [hbm:s6], $0xF7A  }
0x23: {  	s9 =	sor.u32 $0xD0000000, s2;
	s6 =	simm.s32 $0x108;
	_ =	swait.ge @!p0 [sflag:s8], $0x0  }
0x24: {  	s3 =	sadd.s32 $0x88, s3;
	s6 =	simm.s32 @!p1 $0x1082;
	[sflag:s4] =	ssyncset.s32 $0xFFFFF086  }
0x25: {  	[simem:s6], [sflag:s4] =	dma.local [hbm:s3], $0xF7A  }
0x26: {  	[smem:$0x3F9F] =	sst s1;
	(tag) =	ssettag s2;
	_ =	strace s9  }
0x27: {  	s1 =	sld [smem:$0x3FAF]  }
0x28: {  	s2 =	sld [smem:$0x3FB0]  }
0x29: {  	s4 =	sld [smem:$0x3FB2]  }
0x2a: {  	p0 =	seq.s32 s5, $0x0;
	s5 =	sld [smem:$0x3FB3]  }
0x2b: {  	s6 =	sld [smem:$0x3FB4]  }
0x2c: {  	s7 =	sld [smem:$0x3FB5]  }
0x2d: {  	s3 =	simm.s32 $0x108;
	s8 =	sld [smem:$0x3FB6]  }
0x2e: {  	s3 =	simm.s32 @!p0 $0x1082;
	s9 =	sld [smem:$0x3FB7]  }
0x2f: {  	lr =	sadd.s32 s0, s3;
	s0 =	sld [smem:$0x3FAE]  }
0x30: {  	s3 =	sld [smem:$0x3FB1]  }
0x31: {  	[smem:$0x3FBA] =	sst s10  }
0x32: {  	s10 =	sld [smem:$0x3FB8];
	_ =	sdelay $0x3  }
0x33: {  	p0 =	seq.s32 s10, $0x1;
	s10 =	sld [smem:$0x3FBA];
	_ =	sdelay $0x3  }
0x34: {  	[smem:$0x3FBA] =	sst s10  }
0x35: {  	s10 =	sld [smem:$0x3FB9];
	_ =	sdelay $0x3  }
0x36: {  	p1 =	seq.s32 s10, $0x1;
	s10 =	sld [smem:$0x3FBA];
	_ =	sdelay $0x3  }
0x37: {  	[smem:$0x3FBA] =	sst s10  }
0x38: {  	s10 =	sld [smem:$0x3FBB]  }
0x39: {  	_ = 	snop;
	(pc) =	sbr.ind lr, $3  }
0x3a: {  	_ = 	snop  }
0x3b: {  	_ = 	snop  }
0x3c: {  	p2 =	seq.s32 s10, $0x1;
	s10 =	sld [smem:$0x3FBA]  }
0x3d: {  	_ =	shalt  }
0x3e: {  	_ =	shalt  }
0x3f: {  	_ =	shalt  }
0x40: {  	_ =	shalt  }
0x41: {  	_ =	shalt  }
0x42: {  	_ =	shalt  }
0x43: {  	_ =	shalt  }
0x44: {  	_ =	shalt  }
0x45: {  	_ =	shalt  }
0x46: {  	_ =	shalt  }
0x47: {  	_ =	shalt  }
0x48: {  	_ =	shalt  }
0x49: {  	_ =	shalt  }
0x4a: {  	_ =	shalt  }
0x4b: {  	_ =	shalt  }
0x4c: {  	_ =	shalt  }
0x4d: {  	_ =	shalt  }
0x4e: {  	_ =	shalt  }
0x4f: {  	_ =	shalt  }
0x50: {  	_ =	shalt  }
0x51: {  	_ =	shalt  }
0x52: {  	_ =	shalt  }
0x53: {  	_ =	shalt  }
0x54: {  	_ =	shalt  }
0x55: {  	_ =	shalt  }
0x56: {  	_ =	shalt  }
0x57: {  	_ =	shalt  }
0x58: {  	_ =	shalt  }
0x59: {  	_ =	shalt  }
0x5a: {  	_ =	shalt  }
0x5b: {  	_ =	shalt  }
0x5c: {  	_ =	shalt  }
0x5d: {  	_ =	shalt  }
0x5e: {  	_ =	shalt  }
0x5f: {  	_ =	shalt  }
0x60: {  	_ =	shalt  }
0x61: {  	_ =	shalt  }
0x62: {  	_ =	shalt  }
0x63: {  	_ =	shalt  }
0x64: {  	_ =	shalt  }
0x65: {  	_ =	shalt  }
0x66: {  	_ =	shalt  }
0x67: {  	_ =	shalt  }
0x68: {  	_ =	shalt  }
0x69: {  	_ =	shalt  }
0x6a: {  	_ =	shalt  }
0x6b: {  	_ =	shalt  }
0x6c: {  	_ =	shalt  }
0x6d: {  	_ =	shalt  }
0x6e: {  	_ =	shalt  }
0x6f: {  	_ =	shalt  }
0x70: {  	_ =	shalt  }
0x71: {  	_ =	shalt  }
0x72: {  	_ =	shalt  }
0x73: {  	_ =	shalt  }
0x74: {  	_ =	shalt  }
0x75: {  	_ =	shalt  }
0x76: {  	_ =	shalt  }
0x77: {  	_ =	shalt  }
0x78: {  	_ =	shalt  }
0x79: {  	_ =	shalt  }
0x7a: {  	_ =	shalt  }
0x7b: {  	_ =	shalt  }
0x7c: {  	_ =	shalt  }
0x7d: {  	_ =	shalt  }
0x7e: {  	_ =	shalt  }
0x7f: {  	_ =	shalt  }
0x80: {  	_ =	shalt  }
0x81: {  	_ =	shalt  }
0x82: {  	_ =	shalt  }
0x83: {  	_ =	shalt  }
0x84: {  	_ =	shalt  }
0x85: {  	_ =	shalt  }
0x86: {  	_ =	shalt  }
0x87: {  	_ =	shalt  }
.Lfunc_end0:
.L_simem_size_0:
called_computation_lowered:
.L_overlay_start_0:
0x88: {  	s2 =	sld [smem:$0x3FD9]  }
0x89: {  	s3 =	sld [smem:$0x3FFE];
	_ =	sdelay $0x1  }
0x8a: {  	s1 =	srdreg.scid  }
0x8b: {  	s0 =	sand.u32 $0x1, s1  }
0x8c: {  	s14 =	sshll.u32 s0, $0xA;
	s2 =	sadd.s32 s3, s2  }
0x8d: {  	s2 =	sadd.s32 s2, s14  }
0x8e: {  	[smem:$0x3FC6] =	sst s2  }
0x8f: {  	_ = 	snop  }
0x90: {  	s2 =	sld [smem:$0x3FD0];
	_ =	sdelay $0x2  }
0x91: {  	s4 =	simm.s32 $0xA;
	s5 =	simm.s32 $0x10;
	s15 =	sld [smem:$0x3FC9]  }
0x92: {  	[smem:s5], [sflag:s4] =	dma.local [hbm:s2], $0x1  }
0x93: {  	_ =	swait.eq [sflag:s4], $0x1  }
0x94: {  	[sflag:s4] =	ssyncset.done $0x0  }
0x95: {  	[sflag:s4] =	ssyncadd.s32 $0xFFFFFFFF  }
0x96: {  	s16 =	sld [smem:$0x10];
	(tm) =	ssettm $0x1  }
0x97: {  	s17 =	sld [smem:$0x3FFB];
	_ =	sdelay $0x3  }
0x98: {  	_ =	strace s17  }
0x99: {  	s4 =	sld [smem:$0x3FFC];
	_ =	sdelay $0x3  }
0x9a: {  	_ =	strace s4  }
0x9b: {  	s4 =	sld [smem:$0x3FFD];
	_ =	sdelay $0x3  }
0x9c: {  	_ =	strace s4  }
0x9d: {  	_ =	strace $0x8FFFFFFF  }
0x9e: {  	s18 =	sld [smem:$0x3FDB];
	_ =	sdelay $0x1  }
0x9f: {  	s19 =	simm.s32 $_scs_section_size  }
0xa0: {  	s6 =	simm.s32 $_size__tile_overlayer_lowered;
	s7 =	simm.s32 $_tile_overlayer_lowered  }
0xa1: {  	s22 =	simm.s32 $0x1BFF;
	s21 =	sshll.u32 s7, $0x1;
	s4 =	sadd.s32 s19, s18  }
0xa2: {  	s8 =	simm.s32 $0x0;
	s20 =	sshll.u32 s6, $0x1;
	s6 =	sadd.s32 s21, s4  }
0xa3: {  	[timem:s8], [sflag:s22] =	dma.local [hbm:s6], s20  }
0xa4: {  	_ =	swait.ge [sflag:s22], s20  }
0xa5: {  	s5 =	ssub.s32 $0x0, s20;
	[sflag:s22] =	ssyncset.done $0x0  }
0xa6: {  	[sflag:s22] =	ssyncadd.s32 s5;
	_ =	sdelay $0x1  }
0xa7: {  	s23 =	simm.s32 $0x1B8B  }
0xa8: {  	_ =	swait.ge [sflag:s23], $0x1  }
0xa9: {  	[sflag:s23] =	ssyncset.done $0x0  }
0xaa: {  	s25 =	simm.s32 $0x1B8E;
	s24 =	sld [smem:$0x3FFE];
	[sflag:s23] =	ssyncadd.s32 $0xFFFFFFFF  }
0xab: {  	s26 =	simm.s32 $execute0_lowered;
	[smem:$0x3FD2] =	sst s25  }
0xac: {  	s6 =	sshll.u32 s26, $0x1;
	_ =	strace $0x80000046;
	[dreg:$0x1] =	wrdreg $0xFFFFFFFF  }
0xad: {  	s28 =	simm.s32 $_size_execute0_lowered;
	s4 =	sadd.s32 s4, s6;
	[dreg:$0x0] =	wrdreg $0x0  }
0xae: {  	s6 =	sshll.u32 s28, $0x1;
	[dreg:$0x2] =	wrdreg s4  }
0xaf: {  	[dreg:$0x3] =	wrdreg s6  }
0xb0: {  	[dreg:$0x4] =	wrdreg $0xC0  }
0xb1: {  	_ =	task [dreg:s8], $0x5FFFF  }
0xb2: {  	[dreg:$0x1] =	wrdreg $0xFFFFFFFF  }
0xb3: {  	[dreg:$0x0] =	wrdreg $0x60  }
0xb4: {  	[dreg:$0x2] =	wrdreg s15  }
0xb5: {  	[dreg:$0x3] =	wrdreg s24  }
0xb6: {  	[dreg:$0x4] =	wrdreg s16  }
0xb7: {  	[dreg:$0x5] =	wrdreg $0x9  }
0xb8: {  	_ =	task.clear_ibuf [dreg:s8], $0x6FFFF;
	_ =	strace $0x90000046  }
0xb9: {  	s29 =	simm.s32 $0x9;
	_ =	strace $0x80000048  }
0xba: {  	_ =	swait.ge [sflag:s29], $0x1  }
0xbb: {  	[sflag:s29] =	ssyncadd.s32 $0xFFFFFFFF  }
0xbc: {  	_ =	strace $0x90000048  }
0xbd: {  	_ =	sfence  }
0xbe: {  	s30 =	sld [smem:$0x0];
	_ =	sdelay $0x2  }
0xbf: {  	s31 =	sshll.u32 s1, $0xD;
	s1 =	sshrl.u32 s1, $0x2  }
0xc0: {  	s3 =	sand.u32 $0x4000, s31;
	s1 =	sadd.s32 s1, s30  }
0xc1: {  	s0 =	sor.u32 s3, s0;
	s1 =	sshll.u32 s1, $0x11  }
0xc2: {  	s0 =	sor.u32 s1, s0  }
0xc3: {  	s0 =	sadd.s32 $0x8F2B, s0  }
0xc4: {  	[sflag:s0] =	ssyncadd.remote.s32 $0x1  }
0xc5: {  	_ =	sfence.sel $0xFFFF  }
0xc6: {  	[dreg:$0x0] =	wrdreg $0xFFFFFFFF;
	(pc) =	sbr.abs _section_cstart, $3  }
0xc7: {  	[dreg:$0x1] =	wrdreg $0xFFFFFFFF  }
0xc8: {  	_ =	task.clear_ibuf [dreg:s8], $0x2FFFF;
	_ =	strace $0x9FFFFFFF  }
0xc9: {  	(tm) =	ssettm $0x7FFFFFFF  }
tec
execute0_lowered:
.L_overlay_start_1:
0x0: {  	(tag) =	ssettag $0x1  }
0x1: {  	s2 =	rddreg [dreg:$0x0]  }
0x2: {  	s4 =	rddreg [dreg:$0x1]  }
0x3: {  	s10 =	rddreg [dreg:$0x2]  }
0x4: {  	s3 =	srdreg.scid;
	s1 =	stileid.u32  }
0x5: {  	s0 =	rddreg [dreg:$0x3];
	s17 =	simm.s32 $0x2080;
	s18 =	simm.s32 $0x2880  }
0x6: {  	s19 =	simm.s32 $0x3080;
	s20 =	simm.s32 $0x3880;
	s21 =	simm.s32 $0x4080  }
0x7: {  	s28 =	simm.s32 $0x7080;
	s29 =	simm.s32 $0x7880;
	s6 =	sand.u32 $0x1, s3  }
0x8: {  	s22 =	sshll.u32 s1, $0x7;
	s5 =	sshll.u32 s1, $0x5;
	s3 =	simm.s32 $0x0  }
0x9: {  	s11 =	sadd.s32 $0x600, s4;
	s16 =	sshll.u32 s1, $0xF;
	s8 =	sand.u32 $0x600, s22  }
0xa: {  	s7 =	sshll.u32 s6, $0x8;
	s9 =	sand.u32 $0x60, s5;
	[smem:$0x7FF] =	sst s3  }
0xb: {  	s24 =	ssub.s32 $0x2, s6;
	s13 =	smul.u32 $0x300000, s6;
	s26 =	sshllo.u32 s6, $0x1  }
0xc: {  	s6 =	sadd.s32 $0x200, s2;
	s22 =	simm.s32 $0x4880;
	s23 =	sor.u32 s7, s8  }
0xd: {  	s25 =	sshrl.u32 s24, $0x1;
	_ =	strace $0x80000047;
	s14 =	sshll.u32 s26, $0x7  }
0xe: {  	s15 =	smul.u32 $0x180000, s26;
	s7 =	sadd.s32 $0x300, s2;
	s26 =	simm.s32 $0x6880  }
0xf: {  	s5 =	sor.u32 s9, s23;
	s12 =	ssub.s32 s24, s25;
	s8 =	sor.u32 s8, s14  }
0x10: {  	s13 =	sor.u32 s16, s13;
	s14 =	simm.s32 $0x880;
	s23 =	simm.s32 $0x5080  }
0x11: {  	s24 =	simm.s32 $0x5880;
	s25 =	simm.s32 $0x6080;
	s5 =	sshrl.u32 s5, $0x3  }
0x12: {  	s8 =	sor.u32 s9, s8;
	s30 =	sor.u32 s16, s15;
	s13 =	sshrl.u32 s13, $0x3  }
0x13: {  	s16 =	simm.s32 $0x1880;
	s4 =	sadd.s32 s11, s5;
	s5 =	sadd.s32 $0x100, s2  }
0x14: {  	v2 =	vlaneseq.u32;
	s31 =	sshrl.u32 s8, $0x3;
	s15 =	sshrl.u32 s30, $0x3;
	s8 =	sadd.s32 s10, s13  }
0x15: {  	vm0 =	vmmov $0xffff;
	v1 =	vshrl.u32 v2, $0x3;
	s13 =	simm.s32 $0x80;
	s9 =	sadd.s32 s11, s31;
	s10 =	sadd.s32 s10, s15  }
0x16: {  	v0 =	vand.u32 $0x7, v2;
	v2 =	vor.u32 $0x8, v2;
	v1 =	vmul.u32 $0x8, v1;
	s11 =	smax.u32 s12, $0x1;
	s12 =	simm.s32 $0x1;
	s15 =	simm.s32 $0x1080  }
.LBB2_1:
0x17: {  	[tilespmem:s3], [sflag:$0x1] =	stream.linear.gather [hbm4b:s4+s3], $0x20, $0x38;
	[tilespmem:$0x8080] =	vst v63  }
0x18: {  	_ =	swait.ge [sflag:s12], $0x20  }
0x19: {  	[sflag:s12] =	ssyncset.done $0x0  }
0x1a: {  	[sflag:s12] =	ssyncadd.s32 $0xFFFFFFE0  }
0x1b: {  	v3 =	vld [tilespmem:$0x0];
	_ =	sdelay $0x4  }
0x1c: {  	v4 =	vshll.u32 v3, $0x3  }
0x1d: {  	v3 =	vand.u32 $0x7, v3;
	v4 =	vand.u32 $0xFFFFFFC0, v4  }
0x1e: {  	v3 =	vor.u32 v3, v4  }
0x1f: {  	v4 =	vperm.xlane v3, v0;
	_ =	sdelay $0x1  }
0x20: {  	v4 =	vadd.s32 v1, v4;
	_ =	sdelay $0x4  }
0x21: {  	[tilespmem:s13], [sflag:$0x1] =	stream.indirect_vreg.gather [hbm4b:s2+s3], $0x80, v4, vm0, $0xb8;
	[tilespmem:$0x8080] =	vst v63  }
0x22: {  	v3 =	vperm.xlane v3, v2  }
0x23: {  	[tilespmem:s14], [sflag:$0x1] =	stream.indirect_vreg.gather [hbm4b:s5+s3], $0x80, v4, vm0, $0xb8;
	[tilespmem:$0x8080] =	vst v63  }
0x24: {  	v3 =	vadd.s32 v1, v3  }
0x25: {  	[tilespmem:s15], [sflag:$0x1] =	stream.indirect_vreg.gather [hbm4b:s6+s3], $0x80, v4, vm0, $0xb8;
	[tilespmem:$0x8080] =	vst v63  }
0x26: {  	_ = 	snop  }
0x27: {  	[tilespmem:s16], [sflag:$0x1] =	stream.indirect_vreg.gather [hbm4b:s7+s3], $0x80, v4, vm0, $0xb8;
	[tilespmem:$0x8080] =	vst v63  }
0x28: {  	_ = 	snop  }
0x29: {  	[tilespmem:s17], [sflag:$0x1] =	stream.indirect_vreg.gather [hbm4b:s2+s3], $0x80, v3, vm0, $0xb8;
	[tilespmem:$0x8080] =	vst v63  }
0x2a: {  	_ = 	snop  }
0x2b: {  	[tilespmem:s18], [sflag:$0x1] =	stream.indirect_vreg.gather [hbm4b:s5+s3], $0x80, v3, vm0, $0xb8;
	[tilespmem:$0x8080] =	vst v63  }
0x2c: {  	_ = 	snop  }
0x2d: {  	[tilespmem:s19], [sflag:$0x1] =	stream.indirect_vreg.gather [hbm4b:s6+s3], $0x80, v3, vm0, $0xb8;
	[tilespmem:$0x8080] =	vst v63  }
0x2e: {  	_ = 	snop  }
0x2f: {  	[tilespmem:s20], [sflag:$0x1] =	stream.indirect_vreg.gather [hbm4b:s7+s3], $0x80, v3, vm0, $0xb8;
	[tilespmem:$0x8080] =	vst v63  }
0x30: {  	v3 =	vld [tilespmem:$0x10];
	_ =	sdelay $0x4  }
0x31: {  	v61 =	vshll.u32 v3, $0x3  }
0x32: {  	v3 =	vand.u32 $0x7, v3;
	v4 =	vand.u32 $0xFFFFFFC0, v61  }
0x33: {  	v3 =	vor.u32 v3, v4  }
0x34: {  	v4 =	vperm.xlane v3, v0;
	_ =	sdelay $0x1  }
0x35: {  	v4 =	vadd.s32 v1, v4;
	_ =	sdelay $0x4  }
0x36: {  	[tilespmem:s21], [sflag:$0x1] =	stream.indirect_vreg.gather [hbm4b:s2+s3], $0x80, v4, vm0, $0xb8;
	[tilespmem:$0x8080] =	vst v63  }
0x37: {  	v3 =	vperm.xlane v3, v2  }
0x38: {  	[tilespmem:s22], [sflag:$0x1] =	stream.indirect_vreg.gather [hbm4b:s5+s3], $0x80, v4, vm0, $0xb8;
	[tilespmem:$0x8080] =	vst v63  }
0x39: {  	v3 =	vadd.s32 v1, v3  }
0x3a: {  	[tilespmem:s23], [sflag:$0x1] =	stream.indirect_vreg.gather [hbm4b:s6+s3], $0x80, v4, vm0, $0xb8;
	[tilespmem:$0x8080] =	vst v63  }
0x3b: {  	_ = 	snop  }
0x3c: {  	[tilespmem:s24], [sflag:$0x1] =	stream.indirect_vreg.gather [hbm4b:s7+s3], $0x80, v4, vm0, $0xb8;
	[tilespmem:$0x8080] =	vst v63  }
0x3d: {  	_ = 	snop  }
0x3e: {  	[tilespmem:s25], [sflag:$0x1] =	stream.indirect_vreg.gather [hbm4b:s2+s3], $0x80, v3, vm0, $0xb8;
	[tilespmem:$0x8080] =	vst v63  }
0x3f: {  	_ = 	snop  }
0x40: {  	[tilespmem:s26], [sflag:$0x1] =	stream.indirect_vreg.gather [hbm4b:s5+s3], $0x80, v3, vm0, $0xb8;
	[tilespmem:$0x8080] =	vst v63  }
0x41: {  	_ = 	snop  }
0x42: {  	[tilespmem:s28], [sflag:$0x1] =	stream.indirect_vreg.gather [hbm4b:s6+s3], $0x80, v3, vm0, $0xb8;
	[tilespmem:$0x8080] =	vst v63  }
0x43: {  	_ = 	snop  }
0x44: {  	[tilespmem:s29], [sflag:$0x1] =	stream.indirect_vreg.gather [hbm4b:s7+s3], $0x80, v3, vm0, $0xb8;
	[tilespmem:$0x8080] =	vst v63  }
0x45: {  	_ =	swait.ge [sflag:s12], $0x8000  }
0x46: {  	[sflag:s12] =	ssyncset.done $0x0  }
0x47: {  	[sflag:s12] =	ssyncadd.s32 $0xFFFF8000  }
0x48: {  	[hbm4b:s8+s3] =	stream.linear.scatter [tilespmem:s13], [sflag:$0x1], $0x8000, $0x38;
	[tilespmem:$0x8080] =	vst v63  }
0x49: {  	_ =	swait.ge [sflag:s12], $0x8000  }
0x4a: {  	[sflag:s12] =	ssyncset.done $0x0  }
0x4b: {  	[sflag:s12] =	ssyncadd.s32 $0xFFFF8000  }
0x4c: {  	[tilespmem:s3], [sflag:$0x1] =	stream.linear.gather [hbm4b:s9+s3], $0x20, $0x38;
	[tilespmem:$0x8080] =	vst v63  }
0x4d: {  	_ =	swait.ge [sflag:s12], $0x20  }
0x4e: {  	[sflag:s12] =	ssyncset.done $0x0  }
0x4f: {  	[sflag:s12] =	ssyncadd.s32 $0xFFFFFFE0  }
0x50: {  	v3 =	vld [tilespmem:$0x0];
	_ =	sdelay $0x4  }
0x51: {  	v62 =	vshll.u32 v3, $0x3  }
0x52: {  	v3 =	vand.u32 $0x7, v3;
	v4 =	vand.u32 $0xFFFFFFC0, v62  }
0x53: {  	v3 =	vor.u32 v3, v4  }
0x54: {  	v4 =	vperm.xlane v3, v0;
	_ =	sdelay $0x1  }
0x55: {  	v4 =	vadd.s32 v1, v4;
	_ =	sdelay $0x4  }
0x56: {  	[tilespmem:s13], [sflag:$0x1] =	stream.indirect_vreg.gather [hbm4b:s2+s3], $0x80, v4, vm0, $0xb8;
	[tilespmem:$0x8080] =	vst v63  }
0x57: {  	v3 =	vperm.xlane v3, v2  }
0x58: {  	[tilespmem:s14], [sflag:$0x1] =	stream.indirect_vreg.gather [hbm4b:s5+s3], $0x80, v4, vm0, $0xb8;
	[tilespmem:$0x8080] =	vst v63  }
0x59: {  	v3 =	vadd.s32 v1, v3  }
0x5a: {  	[tilespmem:s15], [sflag:$0x1] =	stream.indirect_vreg.gather [hbm4b:s6+s3], $0x80, v4, vm0, $0xb8;
	[tilespmem:$0x8080] =	vst v63  }
0x5b: {  	_ = 	snop  }
0x5c: {  	[tilespmem:s16], [sflag:$0x1] =	stream.indirect_vreg.gather [hbm4b:s7+s3], $0x80, v4, vm0, $0xb8;
	[tilespmem:$0x8080] =	vst v63  }
0x5d: {  	_ = 	snop  }
0x5e: {  	[tilespmem:s17], [sflag:$0x1] =	stream.indirect_vreg.gather [hbm4b:s2+s3], $0x80, v3, vm0, $0xb8;
	[tilespmem:$0x8080] =	vst v63  }
0x5f: {  	_ = 	snop  }
0x60: {  	[tilespmem:s18], [sflag:$0x1] =	stream.indirect_vreg.gather [hbm4b:s5+s3], $0x80, v3, vm0, $0xb8;
	[tilespmem:$0x8080] =	vst v63  }
0x61: {  	_ = 	snop  }
0x62: {  	[tilespmem:s19], [sflag:$0x1] =	stream.indirect_vreg.gather [hbm4b:s6+s3], $0x80, v3, vm0, $0xb8;
	[tilespmem:$0x8080] =	vst v63  }
0x63: {  	_ = 	snop  }
0x64: {  	[tilespmem:s20], [sflag:$0x1] =	stream.indirect_vreg.gather [hbm4b:s7+s3], $0x80, v3, vm0, $0xb8;
	[tilespmem:$0x8080] =	vst v63  }
0x65: {  	v3 =	vld [tilespmem:$0x10];
	_ =	sdelay $0x4  }
0x66: {  	v63 =	vshll.u32 v3, $0x3  }
0x67: {  	v3 =	vand.u32 $0x7, v3;
	v4 =	vand.u32 $0xFFFFFFC0, v63  }
0x68: {  	v3 =	vor.u32 v3, v4  }
0x69: {  	v4 =	vperm.xlane v3, v0;
	_ =	sdelay $0x1  }
0x6a: {  	v4 =	vadd.s32 v1, v4;
	_ =	sdelay $0x4  }
0x6b: {  	[tilespmem:s21], [sflag:$0x1] =	stream.indirect_vreg.gather [hbm4b:s2+s3], $0x80, v4, vm0, $0xb8;
	[tilespmem:$0x8080] =	vst v63  }
0x6c: {  	v3 =	vperm.xlane v3, v2  }
0x6d: {  	[tilespmem:s22], [sflag:$0x1] =	stream.indirect_vreg.gather [hbm4b:s5+s3], $0x80, v4, vm0, $0xb8;
	[tilespmem:$0x8080] =	vst v63  }
0x6e: {  	v3 =	vadd.s32 v1, v3  }
0x6f: {  	[tilespmem:s23], [sflag:$0x1] =	stream.indirect_vreg.gather [hbm4b:s6+s3], $0x80, v4, vm0, $0xb8;
	[tilespmem:$0x8080] =	vst v63  }
0x70: {  	_ = 	snop  }
0x71: {  	[tilespmem:s24], [sflag:$0x1] =	stream.indirect_vreg.gather [hbm4b:s7+s3], $0x80, v4, vm0, $0xb8;
	[tilespmem:$0x8080] =	vst v63  }
0x72: {  	_ = 	snop  }
0x73: {  	[tilespmem:s25], [sflag:$0x1] =	stream.indirect_vreg.gather [hbm4b:s2+s3], $0x80, v3, vm0, $0xb8;
	[tilespmem:$0x8080] =	vst v63  }
0x74: {  	_ = 	snop  }
0x75: {  	[tilespmem:s26], [sflag:$0x1] =	stream.indirect_vreg.gather [hbm4b:s5+s3], $0x80, v3, vm0, $0xb8;
	[tilespmem:$0x8080] =	vst v63  }
0x76: {  	_ = 	snop  }
0x77: {  	[tilespmem:s28], [sflag:$0x1] =	stream.indirect_vreg.gather [hbm4b:s6+s3], $0x80, v3, vm0, $0xb8;
	[tilespmem:$0x8080] =	vst v63  }
0x78: {  	_ = 	snop  }
0x79: {  	[tilespmem:s29], [sflag:$0x1] =	stream.indirect_vreg.gather [hbm4b:s7+s3], $0x80, v3, vm0, $0xb8;
	[tilespmem:$0x8080] =	vst v63  }
0x7a: {  	_ =	swait.ge [sflag:s12], $0x8000  }
0x7b: {  	p0 =	sne.s32 s11, $0x1;
	[sflag:s12] =	ssyncset.done $0x0  }
.Ltmp0:
0x7c: {  	[sflag:s12] =	ssyncadd.s32 $0xFFFF8000;
	(pc) =	sbr.rel @p0 .LBB2_1-.Ltmp0, $4  }
0x7d: {  	[hbm4b:s10+s3] =	stream.linear.scatter [tilespmem:s13], [sflag:$0x1], $0x8000, $0x38;
	[tilespmem:$0x8080] =	vst v63  }
0x7e: {  	_ =	swait.ge [sflag:s12], $0x8000  }
0x7f: {  	[sflag:s12] =	ssyncset.done $0x0  }
0x80: {  	s11 =	sadd.s32 $0xFFFFFFFF, s11;
	[sflag:s12] =	ssyncadd.s32 $0xFFFF8000  }
0x81: {  	_ =	sfence.sel $0x180000  }
0x82: {  	[bflag:$0x0] =	sbarrier.arrive $0xFFFF  }
0x83: {  	p0 =	sne.s32 s1, $0x0;
	_ =	strace $0x90000047  }
0x84: {  	s0 =	sadd.s32 @!p0 $0x100000, s0;
	[bflag:$0x2] =	sbarrier.arrive $0xFFFF  }
0x85: {  	[sflag:s0] =	ssyncadd.tile.s32 @!p0 $0x1;
	_ =	shalt  }
.Lfunc_end2:
_tile_overlayer_lowered:
.L_overlay_start_2:
0x86: {  	(tag) =	ssettag $0x2  }
0x87: {  	s0 =	rddreg [dreg:$0x0];
	s2 =	stileid.u32  }
0x88: {  	s1 =	rddreg [dreg:$0x1];
	p0 =	sne.s32 s2, $0x0  }
0x89: {  	s3 =	rddreg [dreg:$0x2];
	[bflag:$0x3] =	sbarrier.arrive $0xFFFF;
	s2 =	simm.s32 @!p0 $0x1C01  }
0x8a: {  	[timem:s3], [sflag:s2] =	dma.local @!p0 [hbm:s0], s1  }
0x8b: {  	s0 =	simm.s32 @!p0 $0x1  }
0x8c: {  	_ =	swait.ge @!p0 [sflag:s0], s1  }
0x8d: {  	s1 =	ssub.s32 @!p0 $0x0, s1;
	[sflag:s0] =	ssyncset.done @!p0 $0x0  }
0x8e: {  	[sflag:s0] =	ssyncadd.s32 @!p0 s1  }
0x8f: {  	[bflag:$0x3] =	sbarrier.arrive $0xFFFF  }
0x90: {  	_ =	shalt  }

</sc_bundles>
